<compile_context>
chip_gen: v7x
topology: tpu7x:2x2x1
jax: 0.10.2.dev20260603
libtpu: 0.0.44.dev20260713+nightly
codegen_flags: <defaults>
</compile_context>

<pallas_src>
import functools

import jax
import jax.numpy as jnp
from jax import lax
from jax.experimental import pallas as pl
from jax.experimental.pallas import tpu as pltpu
from jax.experimental.pallas import tpu_sc as plsc

_NCH = 1


@functools.lru_cache(maxsize=None)
def _sc_gather(cs: int, k: int, n_tokens: int, vocab: int, d: int):
    info = plsc.get_sparse_core_info()
    nw = info.num_cores * info.num_subcores
    per_w = n_tokens // nw
    ch = min(per_w, 64)
    n_ch = per_w // ch
    nbuf = 2
    mesh = plsc.VectorSubcoreMesh(core_axis_name="c", subcore_axis_name="s")

    @functools.partial(
        pl.kernel,
        mesh=mesh,
        out_type=jax.ShapeDtypeStruct((n_tokens, d), jnp.float32),
        scratch_types=[
            pltpu.VMEM((per_w,), jnp.int32),
            pltpu.VMEM((nbuf, ch, d), jnp.float32),
            pltpu.SemaphoreType.DMA,
            pltpu.SemaphoreType.DMA,
        ],
    )
    def gather_kernel(ids_hbm, table_hbm, out_hbm, idx_v, rows_v, gsem, osem):
        wid = lax.axis_index("s") * info.num_cores + lax.axis_index("c")
        base = wid * per_w
        row = base // cs
        col = k * cs + lax.rem(base, cs)
        pltpu.sync_copy(ids_hbm.at[row, pl.ds(col, per_w)], idx_v)

        pltpu.async_copy(table_hbm.at[idx_v.at[pl.ds(0, ch)]], rows_v.at[0], gsem)

        def body(j, _):
            slot = lax.rem(j, nbuf)
            nxt = lax.rem(j + 1, nbuf)

            @pl.when(j > 0)
            def _drain_prev():
                pltpu.make_async_copy(
                    rows_v.at[nxt],
                    out_hbm.at[pl.ds(base + (j - 1) * ch, ch)],
                    osem,
                ).wait()

            @pl.when(j + 1 < n_ch)
            def _prefetch():
                pltpu.async_copy(
                    table_hbm.at[idx_v.at[pl.ds((j + 1) * ch, ch)]],
                    rows_v.at[nxt],
                    gsem,
                )

            pltpu.make_async_copy(
                table_hbm.at[idx_v.at[pl.ds(j * ch, ch)]], rows_v.at[slot], gsem
            ).wait()
            pltpu.async_copy(
                rows_v.at[slot], out_hbm.at[pl.ds(base + j * ch, ch)], osem
            )
            return 0

        lax.fori_loop(0, n_ch, body, 0)
        pltpu.make_async_copy(
            rows_v.at[lax.rem(n_ch - 1, nbuf)],
            out_hbm.at[pl.ds(base + (n_ch - 1) * ch, ch)],
            osem,
        ).wait()

    return gather_kernel


def _tc_body(tok_ref, pos_ref, sid_ref, segtab_ref, gamma_ref, beta_ref,
             *rest):
    out_ref = rest[-1]
    x = tok_ref[...] + pos_ref[...]
    s0 = segtab_ref[0:1, :]
    s1 = segtab_ref[1:2, :]
    bb = pl.program_id(0)
    row = sid_ref[pl.ds(bb, 1), :]
    sidc = jnp.transpose(row).astype(jnp.float32)
    x = x + s0 + sidc * (s1 - s0)
    mu = jnp.mean(x, axis=1, keepdims=True)
    xc = x - mu
    var = jnp.mean(xc * xc, axis=1, keepdims=True)
    r = lax.rsqrt(var + 1e-6)
    g = gamma_ref[...].reshape(1, -1)
    b = beta_ref[...].reshape(1, -1)
    out_ref[...] = xc * r * g + b


@functools.lru_cache(maxsize=None)
def _tc_chunk(n_tokens: int, seq_len: int, d: int, chunk: int, k: int):
    batch = n_tokens // seq_len
    nch = seq_len // chunk

    in_specs = [
        pl.BlockSpec((chunk, d), lambda bb: (bb, 0)),
        pl.BlockSpec((chunk, d), lambda bb: (k, 0)),
        pl.BlockSpec((batch, chunk), lambda bb: (0, k)),
        pl.BlockSpec((2, d), lambda bb: (0, 0)),
        pl.BlockSpec((d,), lambda bb: (0,)),
        pl.BlockSpec((d,), lambda bb: (0,)),
    ]
    aliases = {}
    if k > 0:
        in_specs.append(pl.BlockSpec((8, 128), lambda bb: (0, 0)))
        aliases = {6: 0}

    return pl.pallas_call(
        _tc_body,
        grid=(batch,),
        in_specs=in_specs,
        out_specs=pl.BlockSpec((chunk, d), lambda bb: (bb * nch + k, 0)),
        out_shape=jax.ShapeDtypeStruct((n_tokens, d), jnp.float32),
        input_output_aliases=aliases,
    )


def kernel(input_ids, segment_ids, token_table, pos_table, seg_table, gamma, beta):
    b, s = input_ids.shape
    vocab, d = token_table.shape
    n = b * s
    cs = s // _NCH

    buf = None
    for k in range(_NCH):
        tok_k = _sc_gather(cs, k, b * cs, vocab, d)(input_ids, token_table)
        args = (tok_k, pos_table, segment_ids, seg_table, gamma, beta)
        if k > 0:
            args = args + (buf,)
        buf = _tc_chunk(n, s, d, cs, k)(*args)
    return buf.reshape(b, s, d)

# --- scband reference (transcript-rebuilt; emitter-appended) ---
"""Pipeline reference for scband-bert-embedding-21423296872870 (READ-ONLY COPY).

The authoritative reference and input builder live on the scoring server;
editing this copy changes nothing except your own understanding.
"""

import jax, jax.numpy as jnp
import numpy as np

B, S, D = 4, 2048, 768
VOCAB, CONTEXT_LEN, N_SEGMENTS = 100000, 2048, 2


def layer_norm(x, gamma, beta, eps=1e-6):
    mu = jnp.mean(x, axis=-1, keepdims=True)
    var = jnp.mean((x - mu) ** 2, axis=-1, keepdims=True)
    return (x - mu) / jnp.sqrt(var + eps) * gamma + beta


def setup_inputs(seed: int = 0) -> dict:
    key = jax.random.key(seed)
    k1, k2, k3, k4, k5 = jax.random.split(key, 5)
    input_ids = jax.random.randint(k1, (B, S), 0, VOCAB, dtype=jnp.int64 if jax.config.jax_enable_x64 else jnp.int32).astype(jnp.int32)
    segment_ids = jax.random.randint(k2, (B, S), 0, N_SEGMENTS).astype(jnp.int32)
    token_table = jax.random.normal(k3, (VOCAB, D), dtype=jnp.float32) * 0.02
    pos_table = jax.random.normal(k4, (CONTEXT_LEN, D), dtype=jnp.float32) * 0.02
    seg_table = jax.random.normal(k5, (N_SEGMENTS, D), dtype=jnp.float32) * 0.02
    gamma = jnp.ones((D,), dtype=jnp.float32)
    beta = jnp.zeros((D,), dtype=jnp.float32)
    return {
        'input_ids': input_ids,
        'segment_ids': segment_ids,
        'token_table': token_table,
        'pos_table': pos_table,
        'seg_table': seg_table,
        'gamma': gamma,
        'beta': beta,
    }


def reference(input_ids, segment_ids, token_table, pos_table, seg_table, gamma, beta):
    seq_len = input_ids.shape[1]
    token_position = jnp.arange(seq_len)
    token_embeddings = jnp.take(token_table, input_ids, axis=0)
    positional_information = jnp.take(pos_table, token_position, axis=0)
    x = token_embeddings + positional_information[None, :, :]
    segment_embeddings = jnp.take(seg_table, segment_ids, axis=0)
    x = x + segment_embeddings
    # dropout is identity in eval mode
    x = layer_norm(x, gamma, beta, eps=1e-6)
    return x

if __name__ == "__main__":
    import jax
    _d = setup_inputs()
    print(jax.jit(kernel)(*tuple(_d.values())))

</pallas_src>

<mosaic_0001>
#map = affine_map<(d0, d1) -> (0, 0)>
module attributes {stable_mosaic.version = 14 : i64} {
  func.func @gather_kernel(%arg0: i32, %arg1: i32, %arg2: memref<4x2048xi32, #tpu.memory_space<hbm>>, %arg3: memref<100000x768xf32, #tpu.memory_space<hbm>>, %arg4: memref<8192x768xf32, #tpu.memory_space<hbm>>, %arg5: memref<256xi32, #tpu.memory_space<vmem>>, %arg6: memref<2x64x768xf32, #tpu.memory_space<vmem>>, %arg7: memref<!tpu.dma_semaphore, #tpu.memory_space<semaphore_mem>>, %arg8: memref<!tpu.dma_semaphore, #tpu.memory_space<semaphore_mem>>) attributes {dimension_semantics = [#tpu.dimension_semantics<core_parallel>, #tpu.dimension_semantics<subcore_parallel>], iteration_bounds = array<i64: 2, 16>, scalar_prefetch = 0 : i64, scratch_operands = 4 : i64, tpu.core_type = #tpu.core_type<sc_vector_subcore>, window_params = [{transform_indices = #map}, {transform_indices = #map}, {transform_indices = #map}]} {
    %mul3A = arith.constant 2 : i32
    %mul3A_0 = arith.muli %arg1, %mul3A : i32
    %add3A = arith.addi %mul3A_0, %arg0 : i32
    %mul3A_1 = arith.constant 256 : i32
    %mul3A_2 = arith.muli %add3A, %mul3A_1 : i32
    %jit3A = arith.constant 2048 : i32
    %div3A = arith.divsi %mul3A_2, %jit3A : i32
    %sign3A = arith.constant 0 : i32
    %sign3A_3 = arith.cmpi sgt, %mul3A_2, %sign3A : i32
    %sign3A_4 = arith.extui %sign3A_3 : i1 to i32
    %sign3A_5 = arith.constant 0 : i32
    %sign3A_6 = arith.cmpi slt, %mul3A_2, %sign3A_5 : i32
    %sign3A_7 = arith.extui %sign3A_6 : i1 to i32
    %sign3A_8 = arith.subi %sign3A_4, %sign3A_7 : i32
    %sign3A_9 = arith.constant 0 : i32
    %sign3A_10 = arith.cmpi sgt, %jit3A, %sign3A_9 : i32
    %sign3A_11 = arith.extui %sign3A_10 : i1 to i32
    %sign3A_12 = arith.constant 0 : i32
    %sign3A_13 = arith.cmpi slt, %jit3A, %sign3A_12 : i32
    %sign3A_14 = arith.extui %sign3A_13 : i1 to i32
    %sign3A_15 = arith.subi %sign3A_11, %sign3A_14 : i32
    %ne3A = arith.cmpi ne, %sign3A_8, %sign3A_15 : i32
    %rem3A = arith.remsi %mul3A_2, %jit3A : i32
    %ne3A_16 = arith.constant 0 : i32
    %ne3A_17 = arith.cmpi ne, %rem3A, %ne3A_16 : i32
    %and3A = arith.andi %ne3A, %ne3A_17 : i1
    %sub3A = arith.constant 1 : i32
    %sub3A_18 = arith.subi %div3A, %sub3A : i32
    %select_n3A = arith.select %and3A, %sub3A_18, %div3A : i32
    %rem3A_19 = arith.constant 2048 : i32
    %rem3A_20 = arith.remsi %mul3A_2, %rem3A_19 : i32
    %add3A_21 = arith.constant 0 : i32
    %add3A_22 = arith.addi %add3A_21, %rem3A_20 : i32
    "tpu.region"() ({
      %run_scoped3A = tpu.sem_alloc : memref<!tpu.dma_semaphore, #tpu.memory_space<semaphore_mem>>
      %dma_start3A_54 = tpu.memref_slice %arg2[%select_n3A, %add3A_22] : memref<4x2048xi32, #tpu.memory_space<hbm>> -> memref<1x256xi32, #tpu.memory_space<hbm>>
      %dma_start3A_55 = tpu.memref_squeeze %dma_start3A_54 : memref<1x256xi32, #tpu.memory_space<hbm>> -> memref<256xi32, #tpu.memory_space<hbm>>
      %dma_start3A_56 = tpu.memref_slice %arg2[%select_n3A, %add3A_22] : memref<4x2048xi32, #tpu.memory_space<hbm>> -> memref<1x256xi32, #tpu.memory_space<hbm>>
      %dma_start3A_57 = tpu.memref_squeeze %dma_start3A_56 : memref<1x256xi32, #tpu.memory_space<hbm>> -> memref<256xi32, #tpu.memory_space<hbm>>
      tpu.enqueue_dma source(%dma_start3A_57 : memref<256xi32, #tpu.memory_space<hbm>>) target(%arg5 : memref<256xi32, #tpu.memory_space<vmem>>) target_semaphore(%run_scoped3A : memref<!tpu.dma_semaphore, #tpu.memory_space<semaphore_mem>>)
      %dma_wait3A_58 = tpu.memref_slice %arg2[%select_n3A, %add3A_22] : memref<4x2048xi32, #tpu.memory_space<hbm>> -> memref<1x256xi32, #tpu.memory_space<hbm>>
      %dma_wait3A_59 = tpu.memref_squeeze %dma_wait3A_58 : memref<1x256xi32, #tpu.memory_space<hbm>> -> memref<256xi32, #tpu.memory_space<hbm>>
      %dma_wait3A_60 = tpu.memref_slice %arg2[%select_n3A, %add3A_22] : memref<4x2048xi32, #tpu.memory_space<hbm>> -> memref<1x256xi32, #tpu.memory_space<hbm>>
      %dma_wait3A_61 = tpu.memref_squeeze %dma_wait3A_60 : memref<1x256xi32, #tpu.memory_space<hbm>> -> memref<256xi32, #tpu.memory_space<hbm>>
      tpu.wait_dma2 semaphore(%run_scoped3A : memref<!tpu.dma_semaphore, #tpu.memory_space<semaphore_mem>>) src(%dma_wait3A_61 : memref<256xi32, #tpu.memory_space<hbm>>) dst(%arg5 : memref<256xi32, #tpu.memory_space<vmem>>)
      tpu.yield
    }) : () -> ()
    %dma_start3A = arith.constant 0 : i32
    %dma_start3A_23 = arith.constant 0 : i32
    %dma_start3A_24 = arith.constant 0 : i32
    %dma_start3A_25 = tpu.memref_slice %arg6[%dma_start3A, %dma_start3A_23, %dma_start3A_24] : memref<2x64x768xf32, #tpu.memory_space<vmem>> -> memref<1x64x768xf32, #tpu.memory_space<vmem>>
    %dma_start3A_26 = tpu.memref_squeeze %dma_start3A_25 : memref<1x64x768xf32, #tpu.memory_space<vmem>> -> memref<64x768xf32, #tpu.memory_space<vmem>>
    %dma_start3A_27 = arith.constant 0 : i32
    %dma_start3A_28 = tpu.memref_slice %arg5[%dma_start3A_27] : memref<256xi32, #tpu.memory_space<vmem>> -> memref<64xi32, #tpu.memory_space<vmem>>
    %dma_start3A_29 = arith.constant 0 : i32
    %dma_start3A_30 = arith.constant 0 : i32
    %dma_start3A_31 = tpu.memref_slice %arg3[%dma_start3A_29, %dma_start3A_30] : memref<100000x768xf32, #tpu.memory_space<hbm>> -> memref<100000x768xf32, #tpu.memory_space<hbm>>
    tpu.enqueue_indirect_dma source(%dma_start3A_31 : memref<100000x768xf32, #tpu.memory_space<hbm>>) target(%dma_start3A_26 : memref<64x768xf32, #tpu.memory_space<vmem>>) offsets(%dma_start3A_28 : memref<64xi32, #tpu.memory_space<vmem>>) semaphore(%arg7 : memref<!tpu.dma_semaphore, #tpu.memory_space<semaphore_mem>>)
    %scan3A = arith.constant 0 : i32
    %scan3A_32 = arith.constant 0 : i32
    %scan3A_33 = arith.constant 4 : i32
    %scan3A_34 = arith.addi %scan3A_32, %scan3A_33 : i32
    %scan3A_35 = arith.constant 1 : i32
    %scan3A_36 = scf.for %scan3A_54 = %scan3A_32 to %scan3A_34 step %scan3A_35 iter_args(%scan3A_55 = %scan3A) -> (i32)  : i32 {
      %rem3A_56 = arith.constant 2 : i32
      %rem3A_57 = arith.remsi %scan3A_54, %rem3A_56 : i32
      %add3A_58 = arith.constant 1 : i32
      %add3A_59 = arith.addi %scan3A_54, %add3A_58 : i32
      %rem3A_60 = arith.constant 2 : i32
      %rem3A_61 = arith.remsi %add3A_59, %rem3A_60 : i32
      %gt3A = arith.constant 0 : i32
      %gt3A_62 = arith.cmpi sgt, %scan3A_54, %gt3A : i32
      %convert_element_type3A = arith.extui %gt3A_62 : i1 to i32
      %cond3A = arith.constant 0 : i32
      %cond3A_63 = arith.cmpi ne, %convert_element_type3A, %cond3A : i32
      scf.if %cond3A_63 {
        %sub3A_96 = arith.constant 1 : i32
        %sub3A_97 = arith.subi %scan3A_54, %sub3A_96 : i32
        %mul3A_98 = arith.constant 64 : i32
        %mul3A_99 = arith.muli %sub3A_97, %mul3A_98 : i32
        %add3A_100 = arith.addi %mul3A_2, %mul3A_99 : i32
        %dma_wait3A_101 = arith.constant 0 : i32
        %dma_wait3A_102 = arith.constant 0 : i32
        %dma_wait3A_103 = tpu.memref_slice %arg6[%rem3A_61, %dma_wait3A_101, %dma_wait3A_102] : memref<2x64x768xf32, #tpu.memory_space<vmem>> -> memref<1x64x768xf32, #tpu.memory_space<vmem>>
        %dma_wait3A_104 = tpu.memref_squeeze %dma_wait3A_103 : memref<1x64x768xf32, #tpu.memory_space<vmem>> -> memref<64x768xf32, #tpu.memory_space<vmem>>
        %dma_wait3A_105 = arith.constant 0 : i32
        %dma_wait3A_106 = tpu.memref_slice %arg4[%add3A_100, %dma_wait3A_105] : memref<8192x768xf32, #tpu.memory_space<hbm>> -> memref<64x768xf32, #tpu.memory_space<hbm>>
        %dma_wait3A_107 = arith.constant 0 : i32
        %dma_wait3A_108 = tpu.memref_slice %arg4[%add3A_100, %dma_wait3A_107] : memref<8192x768xf32, #tpu.memory_space<hbm>> -> memref<64x768xf32, #tpu.memory_space<hbm>>
        %dma_wait3A_109 = arith.constant 0 : i32
        %dma_wait3A_110 = arith.constant 0 : i32
        %dma_wait3A_111 = tpu.memref_slice %arg6[%rem3A_61, %dma_wait3A_109, %dma_wait3A_110] : memref<2x64x768xf32, #tpu.memory_space<vmem>> -> memref<1x64x768xf32, #tpu.memory_space<vmem>>
        %dma_wait3A_112 = tpu.memref_squeeze %dma_wait3A_111 : memref<1x64x768xf32, #tpu.memory_space<vmem>> -> memref<64x768xf32, #tpu.memory_space<vmem>>
        tpu.wait_dma2 semaphore(%arg8 : memref<!tpu.dma_semaphore, #tpu.memory_space<semaphore_mem>>) src(%dma_wait3A_112 : memref<64x768xf32, #tpu.memory_space<vmem>>) dst(%dma_wait3A_108 : memref<64x768xf32, #tpu.memory_space<hbm>>)
      } else {
      }
      %add3A_64 = arith.constant 1 : i32
      %add3A_65 = arith.addi %scan3A_54, %add3A_64 : i32
      %lt3A = arith.constant 4 : i32
      %lt3A_66 = arith.cmpi slt, %add3A_65, %lt3A : i32
      %convert_element_type3A_67 = arith.extui %lt3A_66 : i1 to i32
      %cond3A_68 = arith.constant 0 : i32
      %cond3A_69 = arith.cmpi ne, %convert_element_type3A_67, %cond3A_68 : i32
      scf.if %cond3A_69 {
        %add3A_96 = arith.constant 1 : i32
        %add3A_97 = arith.addi %scan3A_54, %add3A_96 : i32
        %mul3A_98 = arith.constant 64 : i32
        %mul3A_99 = arith.muli %add3A_97, %mul3A_98 : i32
        %dma_start3A_100 = arith.constant 0 : i32
        %dma_start3A_101 = arith.constant 0 : i32
        %dma_start3A_102 = tpu.memref_slice %arg6[%rem3A_61, %dma_start3A_100, %dma_start3A_101] : memref<2x64x768xf32, #tpu.memory_space<vmem>> -> memref<1x64x768xf32, #tpu.memory_space<vmem>>
        %dma_start3A_103 = tpu.memref_squeeze %dma_start3A_102 : memref<1x64x768xf32, #tpu.memory_space<vmem>> -> memref<64x768xf32, #tpu.memory_space<vmem>>
        %dma_start3A_104 = tpu.memref_slice %arg5[%mul3A_99] : memref<256xi32, #tpu.memory_space<vmem>> -> memref<64xi32, #tpu.memory_space<vmem>>
        %dma_start3A_105 = arith.constant 0 : i32
        %dma_start3A_106 = arith.constant 0 : i32
        %dma_start3A_107 = tpu.memref_slice %arg3[%dma_start3A_105, %dma_start3A_106] : memref<100000x768xf32, #tpu.memory_space<hbm>> -> memref<100000x768xf32, #tpu.memory_space<hbm>>
        tpu.enqueue_indirect_dma source(%dma_start3A_107 : memref<100000x768xf32, #tpu.memory_space<hbm>>) target(%dma_start3A_103 : memref<64x768xf32, #tpu.memory_space<vmem>>) offsets(%dma_start3A_104 : memref<64xi32, #tpu.memory_space<vmem>>) semaphore(%arg7 : memref<!tpu.dma_semaphore, #tpu.memory_space<semaphore_mem>>)
      } else {
      }
      %mul3A_70 = arith.constant 64 : i32
      %mul3A_71 = arith.muli %scan3A_54, %mul3A_70 : i32
      %dma_wait3A_72 = arith.constant 0 : i32
      %dma_wait3A_73 = arith.constant 0 : i32
      %dma_wait3A_74 = tpu.memref_slice %arg6[%rem3A_57, %dma_wait3A_72, %dma_wait3A_73] : memref<2x64x768xf32, #tpu.memory_space<vmem>> -> memref<1x64x768xf32, #tpu.memory_space<vmem>>
      %dma_wait3A_75 = tpu.memref_squeeze %dma_wait3A_74 : memref<1x64x768xf32, #tpu.memory_space<vmem>> -> memref<64x768xf32, #tpu.memory_space<vmem>>
      %dma_wait3A_76 = tpu.memref_slice %arg5[%mul3A_71] : memref<256xi32, #tpu.memory_space<vmem>> -> memref<64xi32, #tpu.memory_space<vmem>>
      %dma_wait3A_77 = arith.constant 0 : i32
      %dma_wait3A_78 = arith.constant 0 : i32
      %dma_wait3A_79 = tpu.memref_slice %arg3[%dma_wait3A_77, %dma_wait3A_78] : memref<100000x768xf32, #tpu.memory_space<hbm>> -> memref<100000x768xf32, #tpu.memory_space<hbm>>
      tpu.wait_indirect_dma semaphore(%arg7 : memref<!tpu.dma_semaphore, #tpu.memory_space<semaphore_mem>>) src(%dma_wait3A_79 : memref<100000x768xf32, #tpu.memory_space<hbm>>) dst(%dma_wait3A_75 : memref<64x768xf32, #tpu.memory_space<vmem>>)
      %mul3A_80 = arith.constant 64 : i32
      %mul3A_81 = arith.muli %scan3A_54, %mul3A_80 : i32
      %add3A_82 = arith.addi %mul3A_2, %mul3A_81 : i32
      %dma_start3A_83 = arith.constant 0 : i32
      %dma_start3A_84 = arith.constant 0 : i32
      %dma_start3A_85 = tpu.memref_slice %arg6[%rem3A_57, %dma_start3A_83, %dma_start3A_84] : memref<2x64x768xf32, #tpu.memory_space<vmem>> -> memref<1x64x768xf32, #tpu.memory_space<vmem>>
      %dma_start3A_86 = tpu.memref_squeeze %dma_start3A_85 : memref<1x64x768xf32, #tpu.memory_space<vmem>> -> memref<64x768xf32, #tpu.memory_space<vmem>>
      %dma_start3A_87 = arith.constant 0 : i32
      %dma_start3A_88 = tpu.memref_slice %arg4[%add3A_82, %dma_start3A_87] : memref<8192x768xf32, #tpu.memory_space<hbm>> -> memref<64x768xf32, #tpu.memory_space<hbm>>
      %dma_start3A_89 = arith.constant 0 : i32
      %dma_start3A_90 = tpu.memref_slice %arg4[%add3A_82, %dma_start3A_89] : memref<8192x768xf32, #tpu.memory_space<hbm>> -> memref<64x768xf32, #tpu.memory_space<hbm>>
      %dma_start3A_91 = arith.constant 0 : i32
      %dma_start3A_92 = arith.constant 0 : i32
      %dma_start3A_93 = tpu.memref_slice %arg6[%rem3A_57, %dma_start3A_91, %dma_start3A_92] : memref<2x64x768xf32, #tpu.memory_space<vmem>> -> memref<1x64x768xf32, #tpu.memory_space<vmem>>
      %dma_start3A_94 = tpu.memref_squeeze %dma_start3A_93 : memref<1x64x768xf32, #tpu.memory_space<vmem>> -> memref<64x768xf32, #tpu.memory_space<vmem>>
      tpu.enqueue_dma source(%dma_start3A_94 : memref<64x768xf32, #tpu.memory_space<vmem>>) target(%dma_start3A_90 : memref<64x768xf32, #tpu.memory_space<hbm>>) target_semaphore(%arg8 : memref<!tpu.dma_semaphore, #tpu.memory_space<semaphore_mem>>)
      %scan3A_95 = arith.constant 0 : i32
      scf.yield %scan3A_95 : i32
    }
    %scan3A_37 = arith.constant 4 : i32
    %rem3A_38 = arith.constant 3 : i32
    %rem3A_39 = arith.constant 2 : i32
    %rem3A_40 = arith.remsi %rem3A_38, %rem3A_39 : i32
    %add3A_41 = arith.constant 192 : i32
    %add3A_42 = arith.addi %mul3A_2, %add3A_41 : i32
    %dma_wait3A = arith.constant 0 : i32
    %dma_wait3A_43 = arith.constant 0 : i32
    %dma_wait3A_44 = tpu.memref_slice %arg6[%rem3A_40, %dma_wait3A, %dma_wait3A_43] : memref<2x64x768xf32, #tpu.memory_space<vmem>> -> memref<1x64x768xf32, #tpu.memory_space<vmem>>
    %dma_wait3A_45 = tpu.memref_squeeze %dma_wait3A_44 : memref<1x64x768xf32, #tpu.memory_space<vmem>> -> memref<64x768xf32, #tpu.memory_space<vmem>>
    %dma_wait3A_46 = arith.constant 0 : i32
    %dma_wait3A_47 = tpu.memref_slice %arg4[%add3A_42, %dma_wait3A_46] : memref<8192x768xf32, #tpu.memory_space<hbm>> -> memref<64x768xf32, #tpu.memory_space<hbm>>
    %dma_wait3A_48 = arith.constant 0 : i32
    %dma_wait3A_49 = tpu.memref_slice %arg4[%add3A_42, %dma_wait3A_48] : memref<8192x768xf32, #tpu.memory_space<hbm>> -> memref<64x768xf32, #tpu.memory_space<hbm>>
    %dma_wait3A_50 = arith.constant 0 : i32
    %dma_wait3A_51 = arith.constant 0 : i32
    %dma_wait3A_52 = tpu.memref_slice %arg6[%rem3A_40, %dma_wait3A_50, %dma_wait3A_51] : memref<2x64x768xf32, #tpu.memory_space<vmem>> -> memref<1x64x768xf32, #tpu.memory_space<vmem>>
    %dma_wait3A_53 = tpu.memref_squeeze %dma_wait3A_52 : memref<1x64x768xf32, #tpu.memory_space<vmem>> -> memref<64x768xf32, #tpu.memory_space<vmem>>
    tpu.wait_dma2 semaphore(%arg8 : memref<!tpu.dma_semaphore, #tpu.memory_space<semaphore_mem>>) src(%dma_wait3A_53 : memref<64x768xf32, #tpu.memory_space<vmem>>) dst(%dma_wait3A_49 : memref<64x768xf32, #tpu.memory_space<hbm>>)
    return
  }
}

module attributes {stable_mosaic.version = 14 : i64} {
  func.func @_tc_body(%arg0: i32, %arg1: memref<2048x768xf32, #tpu.memory_space<vmem>>, %arg2: memref<2048x768xf32, #tpu.memory_space<vmem>>, %arg3: memref<4x2048xi32, #tpu.memory_space<vmem>>, %arg4: memref<2x768xf32, #tpu.memory_space<vmem>>, %arg5: memref<768xf32, #tpu.memory_space<vmem>>, %arg6: memref<768xf32, #tpu.memory_space<vmem>>, %arg7: memref<2048x768xf32, #tpu.memory_space<vmem>>) attributes {dimension_semantics = [#tpu.dimension_semantics<arbitrary>], iteration_bounds = array<i64: 4>, scalar_prefetch = 0 : i64, scratch_operands = 0 : i64, tpu.core_type = #tpu.core_type<tc>, window_params = [{transform_indices = @transform_0, window_bounds = array<i64: 2048, 768>}, {pipeline_mode = #tpu.pipeline_mode<synchronous>, transform_indices = @transform_1, window_bounds = array<i64: 2048, 768>}, {pipeline_mode = #tpu.pipeline_mode<synchronous>, transform_indices = @transform_2, window_bounds = array<i64: 4, 2048>}, {pipeline_mode = #tpu.pipeline_mode<synchronous>, transform_indices = @transform_3, window_bounds = array<i64: 2, 768>}, {pipeline_mode = #tpu.pipeline_mode<synchronous>, transform_indices = @transform_4, window_bounds = array<i64: 768>}, {pipeline_mode = #tpu.pipeline_mode<synchronous>, transform_indices = @transform_5, window_bounds = array<i64: 768>}, {transform_indices = @transform_6, window_bounds = array<i64: 2048, 768>}]} {
    %get3A = arith.constant 0 : index
    %get3A_0 = arith.constant 0 : index
    %get3A_1 = vector.load %arg1[%get3A, %get3A_0] : memref<2048x768xf32, #tpu.memory_space<vmem>>, vector<2048x768xf32>
    %get3A_2 = arith.constant 0 : index
    %get3A_3 = arith.constant 0 : index
    %get3A_4 = vector.load %arg2[%get3A_2, %get3A_3] : memref<2048x768xf32, #tpu.memory_space<vmem>>, vector<2048x768xf32>
    %add3A = arith.addf %get3A_1, %get3A_4 : vector<2048x768xf32>
    %get3A_5 = arith.constant 0 : index
    %get3A_6 = arith.constant 0 : index
    %get3A_7 = vector.load %arg4[%get3A_5, %get3A_6] : memref<2x768xf32, #tpu.memory_space<vmem>>, vector<1x768xf32>
    %get3A_8 = arith.constant 1 : index
    %get3A_9 = arith.constant 0 : index
    %get3A_10 = vector.load %arg4[%get3A_8, %get3A_9] : memref<2x768xf32, #tpu.memory_space<vmem>>, vector<1x768xf32>
    %get3A_11 = arith.index_cast %arg0 : i32 to index
    %get3A_12 = arith.constant 0 : index
    %get3A_13 = vector.load %arg3[%get3A_11, %get3A_12] : memref<4x2048xi32, #tpu.memory_space<vmem>>, vector<1x2048xi32>
    %transpose3A = tpu.transpose %get3A_13, [1, 0] : vector<1x2048xi32> -> vector<2048x1xi32>
    %convert_element_type3A = arith.sitofp %transpose3A : vector<2048x1xi32> to vector<2048x1xf32>
    %add3A_14 = vector.broadcast %get3A_7 : vector<1x768xf32> to vector<2048x768xf32>
    %add3A_15 = arith.addf %add3A, %add3A_14 : vector<2048x768xf32>
    %sub3A = arith.subf %get3A_10, %get3A_7 : vector<1x768xf32>
    %mul3A = vector.broadcast %convert_element_type3A : vector<2048x1xf32> to vector<2048x768xf32>
    %mul3A_16 = vector.broadcast %sub3A : vector<1x768xf32> to vector<2048x768xf32>
    %mul3A_17 = arith.mulf %mul3A, %mul3A_16 : vector<2048x768xf32>
    %add3A_18 = arith.addf %add3A_15, %mul3A_17 : vector<2048x768xf32>
    %reduce_sum3A = arith.constant dense<0.000000e+00> : vector<2048xf32>
    %reduce_sum3A_19 = vector.multi_reduction <add>, %add3A_18, %reduce_sum3A [1] : vector<2048x768xf32> to vector<2048xf32>
    %broadcast_in_dim3A = vector.shape_cast %reduce_sum3A_19 : vector<2048xf32> to vector<2048x1xf32>
    %div3A = arith.constant 7.680000e+02 : f32
    %div3A_20 = vector.broadcast %div3A : f32 to vector<2048x1xf32>
    %div3A_21 = arith.divf %broadcast_in_dim3A, %div3A_20 : vector<2048x1xf32>
    %sub3A_22 = vector.broadcast %div3A_21 : vector<2048x1xf32> to vector<2048x768xf32>
    %sub3A_23 = arith.subf %add3A_18, %sub3A_22 : vector<2048x768xf32>
    %mul3A_24 = arith.mulf %sub3A_23, %sub3A_23 : vector<2048x768xf32>
    %reduce_sum3A_25 = arith.constant dense<0.000000e+00> : vector<2048xf32>
    %reduce_sum3A_26 = vector.multi_reduction <add>, %mul3A_24, %reduce_sum3A_25 [1] : vector<2048x768xf32> to vector<2048xf32>
    %broadcast_in_dim3A_27 = vector.shape_cast %reduce_sum3A_26 : vector<2048xf32> to vector<2048x1xf32>
    %div3A_28 = arith.constant 7.680000e+02 : f32
    %div3A_29 = vector.broadcast %div3A_28 : f32 to vector<2048x1xf32>
    %div3A_30 = arith.divf %broadcast_in_dim3A_27, %div3A_29 : vector<2048x1xf32>
    %add3A_31 = arith.constant 9.99999997E-7 : f32
    %add3A_32 = vector.broadcast %add3A_31 : f32 to vector<2048x1xf32>
    %add3A_33 = arith.addf %div3A_30, %add3A_32 : vector<2048x1xf32>
    %rsqrt3A = math.rsqrt %add3A_33 : vector<2048x1xf32>
    %get3A_34 = arith.constant 0 : index
    %get3A_35 = vector.load %arg5[%get3A_34] : memref<768xf32, #tpu.memory_space<vmem>>, vector<768xf32>
    %reshape3A = vector.shape_cast %get3A_35 : vector<768xf32> to vector<1x768xf32>
    %get3A_36 = arith.constant 0 : index
    %get3A_37 = vector.load %arg6[%get3A_36] : memref<768xf32, #tpu.memory_space<vmem>>, vector<768xf32>
    %reshape3A_38 = vector.shape_cast %get3A_37 : vector<768xf32> to vector<1x768xf32>
    %mul3A_39 = vector.broadcast %rsqrt3A : vector<2048x1xf32> to vector<2048x768xf32>
    %mul3A_40 = arith.mulf %sub3A_23, %mul3A_39 : vector<2048x768xf32>
    %mul3A_41 = vector.broadcast %reshape3A : vector<1x768xf32> to vector<2048x768xf32>
    %mul3A_42 = arith.mulf %mul3A_40, %mul3A_41 : vector<2048x768xf32>
    %add3A_43 = vector.broadcast %reshape3A_38 : vector<1x768xf32> to vector<2048x768xf32>
    %add3A_44 = arith.addf %mul3A_42, %add3A_43 : vector<2048x768xf32>
    %swap3A = arith.constant 0 : index
    %swap3A_45 = arith.constant 0 : index
    %swap3A_46 = vector.load %arg7[%swap3A, %swap3A_45] : memref<2048x768xf32, #tpu.memory_space<vmem>>, vector<2048x768xf32>
    tpu.vector_store %arg7[%swap3A, %swap3A_45], %add3A_44 {strides = array<i32>} : memref<2048x768xf32, #tpu.memory_space<vmem>>, vector<2048x768xf32>,
    return
  }
  func.func @transform_0(%arg0: i32) -> (i32, i32) {
    %c0_i32 = arith.constant 0 : i32
    %c0_i32_0 = arith.constant 0 : i32
    return %arg0, %c0_i32 : i32, i32
  }
  func.func @transform_1(%arg0: i32) -> (i32, i32) {
    %c0_i32 = arith.constant 0 : i32
    %c0_i32_0 = arith.constant 0 : i32
    %c0_i32_1 = arith.constant 0 : i32
    return %c0_i32, %c0_i32_0 : i32, i32
  }
  func.func @transform_2(%arg0: i32) -> (i32, i32) {
    %c0_i32 = arith.constant 0 : i32
    %c0_i32_0 = arith.constant 0 : i32
    %c0_i32_1 = arith.constant 0 : i32
    return %c0_i32, %c0_i32_0 : i32, i32
  }
  func.func @transform_3(%arg0: i32) -> (i32, i32) {
    %c0_i32 = arith.constant 0 : i32
    %c0_i32_0 = arith.constant 0 : i32
    %c0_i32_1 = arith.constant 0 : i32
    return %c0_i32, %c0_i32_0 : i32, i32
  }
  func.func @transform_4(%arg0: i32) -> i32 {
    %c0_i32 = arith.constant 0 : i32
    %c0_i32_0 = arith.constant 0 : i32
    return %c0_i32 : i32
  }
  func.func @transform_5(%arg0: i32) -> i32 {
    %c0_i32 = arith.constant 0 : i32
    %c0_i32_0 = arith.constant 0 : i32
    return %c0_i32 : i32
  }
  func.func @transform_6(%arg0: i32) -> (i32, i32) {
    %mul3A = arith.constant 1 : i32
    %mul3A_0 = arith.muli %arg0, %mul3A : i32
    %add3A = arith.constant 0 : i32
    %add3A_1 = arith.addi %mul3A_0, %add3A : i32
    %c0_i32 = arith.constant 0 : i32
    %c0_i32_2 = arith.constant 0 : i32
    return %add3A_1, %c0_i32 : i32, i32
  }
}

</mosaic_0001>

<sc_bundles>
// kernel: kernel.4.cloned.1.call-start
scs
__scs_entry_jumppad:
0x0: {  	(pc) =	sbr.rel $0x88, $3  }
0x1: {  	(tag) =	ssettag $0x0;
	lr =	simm.s32 $0x1  }
0x2: {  	[smem:$0x3F9A] =	sst lr;
	_ =	strace $0xD0000000  }
0x3: {  	_ = 	snop  }
0x4: {  	_ = 	snop  }
0x5: {  	_ = 	snop  }
0x6: {  	_ = 	snop  }
0x7: {  	_ = 	snop  }
__scs_overlays_trampoline_lowered:
0x8: {  	[smem:$0x3FA9] =	sst s0  }
0x9: {  	[smem:$0x3FAA] =	sst s1  }
0xa: {  	[smem:$0x3FAB] =	sst s2  }
0xb: {  	[smem:$0x3FAC] =	sst s3  }
0xc: {  	[smem:$0x3FAD] =	sst s4  }
0xd: {  	[smem:$0x3FAE] =	sst s5  }
0xe: {  	[smem:$0x3FAF] =	sst s6  }
0xf: {  	[smem:$0x3FB0] =	sst s7  }
0x10: {  	[smem:$0x3FB1] =	sst s8  }
0x11: {  	[smem:$0x3FB2] =	sst s9;
	s0 =	simm.s32 @!p0 $0x0  }
0x12: {  	s1 =	sld [smem:$0x3F98];
	s0 =	simm.s32 @p0 $0x1  }
0x13: {  	[smem:$0x3FB3] =	sst s0;
	s0 =	simm.s32 @!p1 $0x0  }
0x14: {  	s2 =	sld [smem:$0x3F97];
	s0 =	simm.s32 @p1 $0x1  }
0x15: {  	[smem:$0x3FB4] =	sst s0;
	s0 =	simm.s32 @!p2 $0x0  }
0x16: {  	s3 =	sld [smem:$0x3FDB];
	s0 =	simm.s32 @p2 $0x1  }
0x17: {  	s4 =	simm.s32 $0x1BF5;
	[smem:$0x3FB6] =	sst s0  }
0x18: {  	s0 =	sld [smem:$0x3F99];
	_ =	swait.ge [sflag:s4], $0x0  }
0x19: {  	s7 =	sld [smem:$0x3F9A]  }
0x1a: {  	s8 =	sadd.s32 $0xFFFFE003, lr  }
0x1b: {  	s9 =	sadd.s32 $0xFFFFFEF7, lr;
	s5 =	simm.s32 $0xFFFFFFFF;
	p2 =	slt.u32 s8, $0xFFFFF086  }
0x1c: {  	p1 =	slt.u32 s9, $0xF7A;
	s5 =	simm.s32 @!p2 $0x0  }
0x1d: {  	s5 =	simm.s32 @p1 $0x1;
	p0 =	seq.s32 s7, s2  }
0x1e: {  	s7 =	smul.u32 @!p0 $0xF7A, s2;
	p2 =	seq.s32 @!p0 s5, $0x0  }
0x1f: {  	s9 =	smul.u32 $0xF7A, s1;
	s8 =	simm.s32 @!p0 $0x1BF5;
	p2 =	por !p2, p0  }
0x20: {  	[sflag:s8] =	ssyncset.s32 @!p0 $0xFFFFF086;
	s6 =	sadd.s32 @!p0 s3, s7;
	s7 =	simm.s32 @!p0 $0x108  }
0x21: {  	s3 =	sadd.s32 s3, s9;
	s6 =	sadd.s32 @!p0 $0x88, s6;
	s7 =	simm.s32 @p2 $0x1082  }
0x22: {  	[simem:s7], [sflag:s8] =	dma.local @!p0 [hbm:s6], $0xF7A  }
0x23: {  	s9 =	sor.u32 $0xD0000000, s2;
	s6 =	simm.s32 $0x108;
	_ =	swait.ge @!p0 [sflag:s8], $0x0  }
0x24: {  	s3 =	sadd.s32 $0x88, s3;
	s6 =	simm.s32 @!p1 $0x1082;
	[sflag:s4] =	ssyncset.s32 $0xFFFFF086  }
0x25: {  	[simem:s6], [sflag:s4] =	dma.local [hbm:s3], $0xF7A  }
0x26: {  	[smem:$0x3F9A] =	sst s1;
	(tag) =	ssettag s2;
	_ =	strace s9  }
0x27: {  	s1 =	sld [smem:$0x3FAA]  }
0x28: {  	s2 =	sld [smem:$0x3FAB]  }
0x29: {  	s4 =	sld [smem:$0x3FAD]  }
0x2a: {  	p0 =	seq.s32 s5, $0x0;
	s5 =	sld [smem:$0x3FAE]  }
0x2b: {  	s6 =	sld [smem:$0x3FAF]  }
0x2c: {  	s7 =	sld [smem:$0x3FB0]  }
0x2d: {  	s3 =	simm.s32 $0x108;
	s8 =	sld [smem:$0x3FB1]  }
0x2e: {  	s3 =	simm.s32 @!p0 $0x1082;
	s9 =	sld [smem:$0x3FB2]  }
0x2f: {  	lr =	sadd.s32 s0, s3;
	s0 =	sld [smem:$0x3FA9]  }
0x30: {  	s3 =	sld [smem:$0x3FAC]  }
0x31: {  	[smem:$0x3FB5] =	sst s10  }
0x32: {  	s10 =	sld [smem:$0x3FB3];
	_ =	sdelay $0x3  }
0x33: {  	p0 =	seq.s32 s10, $0x1;
	s10 =	sld [smem:$0x3FB5];
	_ =	sdelay $0x3  }
0x34: {  	[smem:$0x3FB5] =	sst s10  }
0x35: {  	s10 =	sld [smem:$0x3FB4];
	_ =	sdelay $0x3  }
0x36: {  	p1 =	seq.s32 s10, $0x1;
	s10 =	sld [smem:$0x3FB5];
	_ =	sdelay $0x3  }
0x37: {  	[smem:$0x3FB5] =	sst s10  }
0x38: {  	s10 =	sld [smem:$0x3FB6]  }
0x39: {  	_ = 	snop;
	(pc) =	sbr.ind lr, $3  }
0x3a: {  	_ = 	snop  }
0x3b: {  	_ = 	snop  }
0x3c: {  	p2 =	seq.s32 s10, $0x1;
	s10 =	sld [smem:$0x3FB5]  }
0x3d: {  	_ =	shalt  }
0x3e: {  	_ =	shalt  }
0x3f: {  	_ =	shalt  }
0x40: {  	_ =	shalt  }
0x41: {  	_ =	shalt  }
0x42: {  	_ =	shalt  }
0x43: {  	_ =	shalt  }
0x44: {  	_ =	shalt  }
0x45: {  	_ =	shalt  }
0x46: {  	_ =	shalt  }
0x47: {  	_ =	shalt  }
0x48: {  	_ =	shalt  }
0x49: {  	_ =	shalt  }
0x4a: {  	_ =	shalt  }
0x4b: {  	_ =	shalt  }
0x4c: {  	_ =	shalt  }
0x4d: {  	_ =	shalt  }
0x4e: {  	_ =	shalt  }
0x4f: {  	_ =	shalt  }
0x50: {  	_ =	shalt  }
0x51: {  	_ =	shalt  }
0x52: {  	_ =	shalt  }
0x53: {  	_ =	shalt  }
0x54: {  	_ =	shalt  }
0x55: {  	_ =	shalt  }
0x56: {  	_ =	shalt  }
0x57: {  	_ =	shalt  }
0x58: {  	_ =	shalt  }
0x59: {  	_ =	shalt  }
0x5a: {  	_ =	shalt  }
0x5b: {  	_ =	shalt  }
0x5c: {  	_ =	shalt  }
0x5d: {  	_ =	shalt  }
0x5e: {  	_ =	shalt  }
0x5f: {  	_ =	shalt  }
0x60: {  	_ =	shalt  }
0x61: {  	_ =	shalt  }
0x62: {  	_ =	shalt  }
0x63: {  	_ =	shalt  }
0x64: {  	_ =	shalt  }
0x65: {  	_ =	shalt  }
0x66: {  	_ =	shalt  }
0x67: {  	_ =	shalt  }
0x68: {  	_ =	shalt  }
0x69: {  	_ =	shalt  }
0x6a: {  	_ =	shalt  }
0x6b: {  	_ =	shalt  }
0x6c: {  	_ =	shalt  }
0x6d: {  	_ =	shalt  }
0x6e: {  	_ =	shalt  }
0x6f: {  	_ =	shalt  }
0x70: {  	_ =	shalt  }
0x71: {  	_ =	shalt  }
0x72: {  	_ =	shalt  }
0x73: {  	_ =	shalt  }
0x74: {  	_ =	shalt  }
0x75: {  	_ =	shalt  }
0x76: {  	_ =	shalt  }
0x77: {  	_ =	shalt  }
0x78: {  	_ =	shalt  }
0x79: {  	_ =	shalt  }
0x7a: {  	_ =	shalt  }
0x7b: {  	_ =	shalt  }
0x7c: {  	_ =	shalt  }
0x7d: {  	_ =	shalt  }
0x7e: {  	_ =	shalt  }
0x7f: {  	_ =	shalt  }
0x80: {  	_ =	shalt  }
0x81: {  	_ =	shalt  }
0x82: {  	_ =	shalt  }
0x83: {  	_ =	shalt  }
0x84: {  	_ =	shalt  }
0x85: {  	_ =	shalt  }
0x86: {  	_ =	shalt  }
0x87: {  	_ =	shalt  }
.Lfunc_end0:
.L_simem_size_0:
called_computation_lowered:
.L_overlay_start_0:
0x88: {  	s2 =	sld [smem:$0x3FD9]  }
0x89: {  	s3 =	sld [smem:$0x3FFE];
	_ =	sdelay $0x1  }
0x8a: {  	s1 =	srdreg.scid  }
0x8b: {  	s0 =	sand.u32 $0x1, s1  }
0x8c: {  	s17 =	sshll.u32 s0, $0xA;
	s2 =	sadd.s32 s3, s2  }
0x8d: {  	s2 =	sadd.s32 s2, s17  }
0x8e: {  	[smem:$0x3FC1] =	sst s2  }
0x8f: {  	_ = 	snop  }
0x90: {  	s2 =	sld [smem:$0x3FC9]  }
0x91: {  	s18 =	sld [smem:$0x3FC7];
	(tm) =	ssettm $0x1  }
0x92: {  	s4 =	sld [smem:$0x3FFB];
	_ =	sdelay $0x3  }
0x93: {  	_ =	strace s4  }
0x94: {  	s4 =	sld [smem:$0x3FFC];
	_ =	sdelay $0x3  }
0x95: {  	_ =	strace s4  }
0x96: {  	s4 =	sld [smem:$0x3FFD];
	_ =	sdelay $0x3  }
0x97: {  	_ =	strace s4  }
0x98: {  	_ =	strace $0x8FFFFFFF  }
0x99: {  	s19 =	sld [smem:$0x3FDB];
	_ =	sdelay $0x1  }
0x9a: {  	s5 =	simm.s32 $_scs_section_size  }
0x9b: {  	s6 =	simm.s32 $_size__tile_overlayer_lowered;
	s7 =	simm.s32 $_tile_overlayer_lowered  }
0x9c: {  	s22 =	simm.s32 $0x1BFF;
	s21 =	sshll.u32 s7, $0x1;
	s4 =	sadd.s32 s5, s19  }
0x9d: {  	s8 =	simm.s32 $0x0;
	s20 =	sshll.u32 s6, $0x1;
	s6 =	sadd.s32 s21, s4  }
0x9e: {  	[timem:s8], [sflag:s22] =	dma.local [hbm:s6], s20  }
0x9f: {  	_ =	swait.ge [sflag:s22], s20  }
0xa0: {  	s5 =	ssub.s32 $0x0, s20;
	[sflag:s22] =	ssyncset.done $0x0  }
0xa1: {  	[sflag:s22] =	ssyncadd.s32 s5;
	_ =	sdelay $0x1  }
0xa2: {  	s23 =	simm.s32 $0x1B8B  }
0xa3: {  	_ =	swait.ge [sflag:s23], $0x1  }
0xa4: {  	[sflag:s23] =	ssyncset.done $0x0  }
0xa5: {  	s25 =	simm.s32 $0x1B8E;
	s24 =	sld [smem:$0x3FFE];
	[sflag:s23] =	ssyncadd.s32 $0xFFFFFFFF  }
0xa6: {  	s26 =	simm.s32 $execute0_lowered;
	[smem:$0x3FD2] =	sst s25  }
0xa7: {  	s6 =	sshll.u32 s26, $0x1;
	_ =	strace $0x80000046;
	[dreg:$0x1] =	wrdreg $0xFFFFFFFF  }
0xa8: {  	s28 =	simm.s32 $_size_execute0_lowered;
	s4 =	sadd.s32 s4, s6;
	[dreg:$0x0] =	wrdreg $0x0  }
0xa9: {  	s6 =	sshll.u32 s28, $0x1;
	[dreg:$0x2] =	wrdreg s4  }
0xaa: {  	[dreg:$0x3] =	wrdreg s6  }
0xab: {  	[dreg:$0x4] =	wrdreg $0xC0  }
0xac: {  	_ =	task [dreg:s8], $0x5FFFF  }
0xad: {  	[dreg:$0x1] =	wrdreg $0xFFFFFFFF  }
0xae: {  	[dreg:$0x0] =	wrdreg $0x60  }
0xaf: {  	[dreg:$0x2] =	wrdreg s2  }
0xb0: {  	[dreg:$0x3] =	wrdreg s18  }
0xb1: {  	[dreg:$0x4] =	wrdreg s24  }
0xb2: {  	[dreg:$0x5] =	wrdreg $0x9  }
0xb3: {  	_ =	task.clear_ibuf [dreg:s8], $0x6FFFF;
	_ =	strace $0x90000046  }
0xb4: {  	s29 =	simm.s32 $0x9;
	_ =	strace $0x80000048  }
0xb5: {  	_ =	swait.ge [sflag:s29], $0x1  }
0xb6: {  	[sflag:s29] =	ssyncadd.s32 $0xFFFFFFFF  }
0xb7: {  	_ =	strace $0x90000048  }
0xb8: {  	_ =	sfence  }
0xb9: {  	s30 =	sld [smem:$0x0];
	_ =	sdelay $0x2  }
0xba: {  	s31 =	sshll.u32 s1, $0xD;
	s1 =	sshrl.u32 s1, $0x2  }
0xbb: {  	s3 =	sand.u32 $0x4000, s31;
	s1 =	sadd.s32 s1, s30  }
0xbc: {  	s0 =	sor.u32 s3, s0;
	s1 =	sshll.u32 s1, $0x11  }
0xbd: {  	s0 =	sor.u32 s1, s0  }
0xbe: {  	s0 =	sadd.s32 $0x8F2B, s0  }
0xbf: {  	[sflag:s0] =	ssyncadd.remote.s32 $0x1  }
0xc0: {  	_ =	sfence.sel $0xFFFF  }
0xc1: {  	[dreg:$0x0] =	wrdreg $0xFFFFFFFF;
	(pc) =	sbr.abs _section_cstart, $3  }
0xc2: {  	[dreg:$0x1] =	wrdreg $0xFFFFFFFF  }
0xc3: {  	_ =	task.clear_ibuf [dreg:s8], $0x2FFFF;
	_ =	strace $0x9FFFFFFF  }
0xc4: {  	(tm) =	ssettm $0x7FFFFFFF  }
0xc5: {  	_ =	shalt  }
tec
execute0_lowered:
.L_overlay_start_1:
0x0: {  	(tag) =	ssettag $0x1  }
0x1: {  	s0 =	rddreg [dreg:$0x0]  }
0x2: {  	s1 =	srdreg.scid;
	s2 =	rddreg [dreg:$0x1]  }
0x3: {  	s7 =	stileid.u32;
	s4 =	rddreg [dreg:$0x2]  }
0x4: {  	s3 =	simm.s32 $0x0;
	s11 =	simm.s32 $0x3;
	s22 =	simm.s32 $0x5100  }
0x5: {  	s23 =	simm.s32 $0x5900;
	s24 =	simm.s32 $0x6100;
	s25 =	simm.s32 $0x6900  }
0x6: {  	s28 =	simm.s32 $0x7900;
	s29 =	simm.s32 $0x8100;
	s30 =	simm.s32 $0x8900  }
0x7: {  	s31 =	simm.s32 $0x9100;
	s9 =	simm.s32 $0xA900;
	s10 =	simm.s32 $0xB100  }
0x8: {  	s12 =	simm.s32 $0xB900;
	s13 =	simm.s32 $0x1;
	s14 =	simm.s32 $0x2  }
0x9: {  	s15 =	simm.s32 $0x0;
	s1 =	sand.u32 $0x1, s1;
	s5 =	sshll.u32 s7, $0x9  }
0xa: {  	s7 =	sshll.u32 s7, $0x5;
	[smem:$0x7FF] =	sst s3;
	s6 =	sshll.u32 s1, $0x8  }
0xb: {  	_ =	strace $0x80000047;
	s1 =	ssub.s32 $0x2, s1;
	s5 =	sor.u32 s6, s5  }
0xc: {  	s26 =	sshrl.u32 s1, $0x1;
	s6 =	sshrl.u32 s5, $0x3;
	s5 =	sshll.u32 s5, $0x2  }
.Ltmp0:
0xd: {  	s1 =	ssub.s32 s1, s26;
	s5 =	sor.u32 s7, s5;
	(pc) =	sbr.rel .LBB2_1-.Ltmp0, $4  }
0xe: {  	s26 =	simm.s32 $0x7100;
	s6 =	smul.u32 $0x300, s6;
	s5 =	sand.u32 $0x1D80, s5  }
0xf: {  	v2 =	vlaneseq.u32;
	s7 =	smax.u32 s1, $0x1;
	s1 =	simm.s32 $0x9900;
	s5 =	sshrl.u32 s5, $0x3  }
0x10: {  	vm0 =	vmmov $0xffff;
	v1 =	vshrl.u32 v2, $0x3;
	s8 =	sadd.s32 s6, s4;
	s6 =	sadd.s32 $0x200, s2;
	s4 =	sadd.s32 s0, s5  }
0x11: {  	v0 =	vand.u32 $0x7, v2;
	v2 =	vor.u32 $0x8, v2;
	v1 =	vmul.u32 $0x8, v1;
	s5 =	sadd.s32 $0x100, s2;
	s17 =	sadd.s32 $0xE00, s8;
	s0 =	simm.s32 $0xA100  }
.LBB2_5:
0x12: {  	s15 =	sadd.s32 $0x1, s15  }
0x13: {  	p0 =	sne.s32 s15, s7  }
.Ltmp1:
0x14: {  	_ = 	snop;
	(pc) =	sbr.rel @!p0 .LBB2_6-.Ltmp1, $4  }
0x15: {  	_ = 	snop  }
0x16: {  	_ =	swait.ge [sflag:s14], $0xC000  }
0x17: {  	[sflag:s14] =	ssyncset.done $0x0  }
0x18: {  	[sflag:s14] =	ssyncadd.s32 $0xFFFF4000  }
.LBB2_1:
0x19: {  	s8 =	simm.s32 $0x80;
	s16 =	simm.s32 $0x200  }
0x1a: {  	[tilespmem:s3], [sflag:$0x3] =	stream.strided.gather [hbm4b:s4+s8], $0x100, s16, s8, $0x38;
	[tilespmem:$0x18100] =	vst v63  }
0x1b: {  	_ =	swait.ge [sflag:s11], $0x100  }
0x1c: {  	[sflag:s11] =	ssyncset.done $0x0  }
0x1d: {  	[sflag:s11] =	ssyncadd.s32 $0xFFFFFF00  }
0x1e: {  	v3 =	vld [tilespmem:$0x0];
	_ =	sdelay $0x4  }
0x1f: {  	v4 =	vshrl.u32 v3, $0x3  }
0x20: {  	v4 =	vmul.u32 $0x30, v4  }
0x21: {  	v3 =	vand.u32 $0x7, v3  }
0x22: {  	v3 =	vor.u32 v3, v4  }
0x23: {  	v4 =	vperm.xlane v3, v0;
	_ =	sdelay $0x1  }
0x24: {  	v4 =	vadd.s32 v1, v4;
	_ =	sdelay $0x3  }
0x25: {  	s16 =	simm.s32 $0x100;
	v3 =	vperm.xlane v3, v2  }
0x26: {  	[tilespmem:s16], [sflag:$0x1] =	stream.indirect_vreg.gather [hbm4b:s2+s3], $0x80, v4, vm0, $0xb8;
	[tilespmem:$0x18100] =	vst v63  }
0x27: {  	s18 =	simm.s32 $0x900;
	v3 =	vadd.s32 v1, v3  }
0x28: {  	[tilespmem:s18], [sflag:$0x1] =	stream.indirect_vreg.gather [hbm4b:s5+s3], $0x80, v4, vm0, $0xb8;
	[tilespmem:$0x18100] =	vst v63  }
0x29: {  	s19 =	simm.s32 $0x1100  }
0x2a: {  	[tilespmem:s19], [sflag:$0x1] =	stream.indirect_vreg.gather [hbm4b:s6+s3], $0x80, v4, vm0, $0xb8;
	[tilespmem:$0x18100] =	vst v63  }
0x2b: {  	s20 =	simm.s32 $0x1900  }
0x2c: {  	[tilespmem:s20], [sflag:$0x1] =	stream.indirect_vreg.gather [hbm4b:s2+s3], $0x80, v3, vm0, $0xb8;
	[tilespmem:$0x18100] =	vst v63  }
0x2d: {  	s21 =	simm.s32 $0x2100  }
0x2e: {  	[tilespmem:s21], [sflag:$0x1] =	stream.indirect_vreg.gather [hbm4b:s5+s3], $0x80, v3, vm0, $0xb8;
	[tilespmem:$0x18100] =	vst v63  }
0x2f: {  	s16 =	simm.s32 $0x2900  }
0x30: {  	[tilespmem:s16], [sflag:$0x1] =	stream.indirect_vreg.gather [hbm4b:s6+s3], $0x80, v3, vm0, $0xb8;
	[tilespmem:$0x18100] =	vst v63  }
0x31: {  	v3 =	vld [tilespmem:$0x10];
	_ =	sdelay $0x4  }
0x32: {  	v61 =	vshrl.u32 v3, $0x3  }
0x33: {  	v4 =	vmul.u32 $0x30, v61  }
0x34: {  	v3 =	vand.u32 $0x7, v3  }
0x35: {  	v3 =	vor.u32 v3, v4  }
0x36: {  	v4 =	vperm.xlane v3, v0;
	_ =	sdelay $0x1  }
0x37: {  	v4 =	vadd.s32 v1, v4;
	_ =	sdelay $0x3  }
0x38: {  	s18 =	simm.s32 $0x3100;
	v3 =	vperm.xlane v3, v2  }
0x39: {  	[tilespmem:s18], [sflag:$0x1] =	stream.indirect_vreg.gather [hbm4b:s2+s3], $0x80, v4, vm0, $0xb8;
	[tilespmem:$0x18100] =	vst v63  }
0x3a: {  	s19 =	simm.s32 $0x3900;
	v3 =	vadd.s32 v1, v3  }
0x3b: {  	[tilespmem:s19], [sflag:$0x1] =	stream.indirect_vreg.gather [hbm4b:s5+s3], $0x80, v4, vm0, $0xb8;
	[tilespmem:$0x18100] =	vst v63  }
0x3c: {  	s20 =	simm.s32 $0x4100  }
0x3d: {  	[tilespmem:s20], [sflag:$0x1] =	stream.indirect_vreg.gather [hbm4b:s6+s3], $0x80, v4, vm0, $0xb8;
	[tilespmem:$0x18100] =	vst v63  }
0x3e: {  	s21 =	simm.s32 $0x4900  }
0x3f: {  	[tilespmem:s21], [sflag:$0x1] =	stream.indirect_vreg.gather [hbm4b:s2+s3], $0x80, v3, vm0, $0xb8;
	[tilespmem:$0x18100] =	vst v63  }
0x40: {  	_ = 	snop  }
0x41: {  	[tilespmem:s22], [sflag:$0x1] =	stream.indirect_vreg.gather [hbm4b:s5+s3], $0x80, v3, vm0, $0xb8;
	[tilespmem:$0x18100] =	vst v63  }
0x42: {  	_ = 	snop  }
0x43: {  	[tilespmem:s23], [sflag:$0x1] =	stream.indirect_vreg.gather [hbm4b:s6+s3], $0x80, v3, vm0, $0xb8;
	[tilespmem:$0x18100] =	vst v63  }
0x44: {  	v3 =	vld [tilespmem:$0x20];
	_ =	sdelay $0x4  }
0x45: {  	v62 =	vshrl.u32 v3, $0x3  }
0x46: {  	v4 =	vmul.u32 $0x30, v62  }
0x47: {  	v3 =	vand.u32 $0x7, v3  }
0x48: {  	v3 =	vor.u32 v3, v4  }
0x49: {  	v4 =	vperm.xlane v3, v0;
	_ =	sdelay $0x1  }
0x4a: {  	v4 =	vadd.s32 v1, v4;
	_ =	sdelay $0x3  }
0x4b: {  	v3 =	vperm.xlane v3, v2  }
0x4c: {  	[tilespmem:s24], [sflag:$0x1] =	stream.indirect_vreg.gather [hbm4b:s2+s3], $0x80, v4, vm0, $0xb8;
	[tilespmem:$0x18100] =	vst v63  }
0x4d: {  	v3 =	vadd.s32 v1, v3  }
0x4e: {  	[tilespmem:s25], [sflag:$0x1] =	stream.indirect_vreg.gather [hbm4b:s5+s3], $0x80, v4, vm0, $0xb8;
	[tilespmem:$0x18100] =	vst v63  }
0x4f: {  	_ = 	snop  }
0x50: {  	[tilespmem:s26], [sflag:$0x1] =	stream.indirect_vreg.gather [hbm4b:s6+s3], $0x80, v4, vm0, $0xb8;
	[tilespmem:$0x18100] =	vst v63  }
0x51: {  	_ = 	snop  }
0x52: {  	[tilespmem:s28], [sflag:$0x1] =	stream.indirect_vreg.gather [hbm4b:s2+s3], $0x80, v3, vm0, $0xb8;
	[tilespmem:$0x18100] =	vst v63  }
0x53: {  	_ = 	snop  }
0x54: {  	[tilespmem:s29], [sflag:$0x1] =	stream.indirect_vreg.gather [hbm4b:s5+s3], $0x80, v3, vm0, $0xb8;
	[tilespmem:$0x18100] =	vst v63  }
0x55: {  	_ = 	snop  }
0x56: {  	[tilespmem:s30], [sflag:$0x1] =	stream.indirect_vreg.gather [hbm4b:s6+s3], $0x80, v3, vm0, $0xb8;
	[tilespmem:$0x18100] =	vst v63  }
0x57: {  	v3 =	vld [tilespmem:$0x30];
	_ =	sdelay $0x4  }
0x58: {  	v63 =	vshrl.u32 v3, $0x3  }
0x59: {  	v4 =	vmul.u32 $0x30, v63  }
0x5a: {  	v3 =	vand.u32 $0x7, v3  }
0x5b: {  	v3 =	vor.u32 v3, v4  }
0x5c: {  	v4 =	vperm.xlane v3, v0;
	_ =	sdelay $0x1  }
0x5d: {  	v4 =	vadd.s32 v1, v4;
	_ =	sdelay $0x3  }
0x5e: {  	v3 =	vperm.xlane v3, v2  }
0x5f: {  	[tilespmem:s31], [sflag:$0x1] =	stream.indirect_vreg.gather [hbm4b:s2+s3], $0x80, v4, vm0, $0xb8;
	[tilespmem:$0x18100] =	vst v63  }
0x60: {  	v3 =	vadd.s32 v1, v3  }
0x61: {  	[tilespmem:s1], [sflag:$0x1] =	stream.indirect_vreg.gather [hbm4b:s5+s3], $0x80, v4, vm0, $0xb8;
	[tilespmem:$0x18100] =	vst v63  }
0x62: {  	_ = 	snop  }
0x63: {  	[tilespmem:s0], [sflag:$0x1] =	stream.indirect_vreg.gather [hbm4b:s6+s3], $0x80, v4, vm0, $0xb8;
	[tilespmem:$0x18100] =	vst v63  }
0x64: {  	_ = 	snop  }
0x65: {  	[tilespmem:s9], [sflag:$0x1] =	stream.indirect_vreg.gather [hbm4b:s2+s3], $0x80, v3, vm0, $0xb8;
	[tilespmem:$0x18100] =	vst v63  }
.Ltmp2:
0x66: {  	_ = 	snop;
	(pc) =	sbr.rel .LBB2_2-.Ltmp2, $4  }
0x67: {  	_ = 	snop  }
0x68: {  	[tilespmem:s10], [sflag:$0x1] =	stream.indirect_vreg.gather [hbm4b:s5+s3], $0x80, v3, vm0, $0xb8;
	[tilespmem:$0x18100] =	vst v63  }
0x69: {  	s8 =	smov.u32 s17;
	s16 =	simm.s32 $0x70;
	s18 =	simm.s32 $0x0  }
0x6a: {  	[tilespmem:s12], [sflag:$0x1] =	stream.indirect_vreg.gather [hbm4b:s6+s3], $0x80, v3, vm0, $0xb8;
	[tilespmem:$0x18100] =	vst v63  }
.LBB2_4:
0x6b: {  	s18 =	sand.u32 $0x1, s18  }
0x6c: {  	p0 =	seq.s32 s18, $0x1;
	s18 =	simm.s32 $0xC100  }
0x6d: {  	s18 =	simm.s32 @!p0 $0x100;
	p0 =	sne.s32 s19, $0x4  }
.Ltmp3:
0x6e: {  	_ =	swait.ge [sflag:s13], $0xC000;
	(pc) =	sbr.rel @!p0 .LBB2_5-.Ltmp3, $4  }
0x6f: {  	[sflag:s13] =	ssyncset.done $0x0  }
0x70: {  	[sflag:s13] =	ssyncadd.s32 $0xFFFF4000  }
0x71: {  	[hbm4b:s8+s3] =	stream.linear.scatter [tilespmem:s18], [sflag:$0x2], $0xC000, $0x38;
	[tilespmem:$0x18100] =	vst v63  }
0x72: {  	s16 =	sadd.s32 $0x40, s16;
	s8 =	sadd.s32 $0x1800, s8;
	s18 =	smov.u32 s19  }
.LBB2_2:
0x73: {  	p0 =	seq.s32 s18, $0x0  }
0x74: {  	p1 =	seq.s32 @!p0 s18, $0x3  }
0x75: {  	p1 =	por p0, !p1  }
.Ltmp4:
0x76: {  	_ = 	snop;
	(pc) =	sbr.rel @!p1 .LBB2_4-.Ltmp4, $4  }
0x77: {  	s20 =	simm.s32 @!p0 $0x2  }
0x78: {  	_ =	swait.ge @!p0 [sflag:s20], $0xC000  }
0x79: {  	[sflag:s20] =	ssyncset.done @!p0 $0x0  }
0x7a: {  	s19 =	sadd.s32 $0x1, s18;
	[sflag:s20] =	ssyncadd.s32 @!p0 $0xFFFF4000  }
0x7b: {  	v3 =	vld [tilespmem:s16+$0xFFFFFFD0];
	_ =	sdelay $0x4  }
0x7c: {  	v4 =	vshrl.u32 v3, $0x3  }
0x7d: {  	v4 =	vmul.u32 $0x30, v4  }
0x7e: {  	v3 =	vand.u32 $0x7, v3  }
0x7f: {  	v3 =	vor.u32 v3, v4  }
0x80: {  	v4 =	vperm.xlane v3, v0;
	_ =	sdelay $0x1  }
0x81: {  	v4 =	vadd.s32 v1, v4  }
0x82: {  	s20 =	sand.u32 $0x1, s19  }
0x83: {  	p0 =	seq.s32 s20, $0x1;
	s20 =	simm.s32 $0xC000  }
0x84: {  	s20 =	simm.s32 @!p0 $0x0  }
0x85: {  	s21 =	sor.u32 $0x100, s20;
	v3 =	vperm.xlane v3, v2  }
0x86: {  	[tilespmem:s21], [sflag:$0x1] =	stream.indirect_vreg.gather [hbm4b:s2+s3], $0x80, v4, vm0, $0xb8;
	[tilespmem:$0x18100] =	vst v63  }
0x87: {  	v3 =	vadd.s32 v1, v3;
	s21 =	sor.u32 $0x900, s20  }
0x88: {  	[tilespmem:s21], [sflag:$0x1] =	stream.indirect_vreg.gather [hbm4b:s5+s3], $0x80, v4, vm0, $0xb8;
	[tilespmem:$0x18100] =	vst v63  }
0x89: {  	s21 =	sor.u32 $0x1100, s20  }
0x8a: {  	[tilespmem:s21], [sflag:$0x1] =	stream.indirect_vreg.gather [hbm4b:s6+s3], $0x80, v4, vm0, $0xb8;
	[tilespmem:$0x18100] =	vst v63  }
0x8b: {  	s21 =	sor.u32 $0x1900, s20  }
0x8c: {  	[tilespmem:s21], [sflag:$0x1] =	stream.indirect_vreg.gather [hbm4b:s2+s3], $0x80, v3, vm0, $0xb8;
	[tilespmem:$0x18100] =	vst v63  }
0x8d: {  	s21 =	sor.u32 $0x2100, s20  }
0x8e: {  	[tilespmem:s21], [sflag:$0x1] =	stream.indirect_vreg.gather [hbm4b:s5+s3], $0x80, v3, vm0, $0xb8;
	[tilespmem:$0x18100] =	vst v63  }
0x8f: {  	s21 =	sor.u32 $0x2900, s20  }
0x90: {  	[tilespmem:s21], [sflag:$0x1] =	stream.indirect_vreg.gather [hbm4b:s6+s3], $0x80, v3, vm0, $0xb8;
	[tilespmem:$0x18100] =	vst v63  }
0x91: {  	v3 =	vld [tilespmem:s16+$0xFFFFFFE0];
	_ =	sdelay $0x4  }
0x92: {  	v61 =	vshrl.u32 v3, $0x3  }
0x93: {  	v4 =	vmul.u32 $0x30, v61  }
0x94: {  	v3 =	vand.u32 $0x7, v3  }
0x95: {  	v3 =	vor.u32 v3, v4  }
0x96: {  	v4 =	vperm.xlane v3, v0;
	_ =	sdelay $0x1  }
0x97: {  	v4 =	vadd.s32 v1, v4;
	_ =	sdelay $0x3  }
0x98: {  	s21 =	sor.u32 $0x3100, s20;
	v3 =	vperm.xlane v3, v2  }
0x99: {  	[tilespmem:s21], [sflag:$0x1] =	stream.indirect_vreg.gather [hbm4b:s2+s3], $0x80, v4, vm0, $0xb8;
	[tilespmem:$0x18100] =	vst v63  }
0x9a: {  	v3 =	vadd.s32 v1, v3;
	s21 =	sor.u32 $0x3900, s20  }
0x9b: {  	[tilespmem:s21], [sflag:$0x1] =	stream.indirect_vreg.gather [hbm4b:s5+s3], $0x80, v4, vm0, $0xb8;
	[tilespmem:$0x18100] =	vst v63  }
0x9c: {  	s21 =	sadd.s32 $0x4100, s20  }
0x9d: {  	[tilespmem:s21], [sflag:$0x1] =	stream.indirect_vreg.gather [hbm4b:s6+s3], $0x80, v4, vm0, $0xb8;
	[tilespmem:$0x18100] =	vst v63  }
0x9e: {  	s21 =	sadd.s32 $0x4900, s20  }
0x9f: {  	[tilespmem:s21], [sflag:$0x1] =	stream.indirect_vreg.gather [hbm4b:s2+s3], $0x80, v3, vm0, $0xb8;
	[tilespmem:$0x18100] =	vst v63  }
0xa0: {  	s21 =	sadd.s32 $0x5100, s20  }
0xa1: {  	[tilespmem:s21], [sflag:$0x1] =	stream.indirect_vreg.gather [hbm4b:s5+s3], $0x80, v3, vm0, $0xb8;
	[tilespmem:$0x18100] =	vst v63  }
0xa2: {  	s21 =	sadd.s32 $0x5900, s20  }
0xa3: {  	[tilespmem:s21], [sflag:$0x1] =	stream.indirect_vreg.gather [hbm4b:s6+s3], $0x80, v3, vm0, $0xb8;
	[tilespmem:$0x18100] =	vst v63  }
0xa4: {  	v3 =	vld [tilespmem:s16+$0xFFFFFFF0];
	_ =	sdelay $0x4  }
0xa5: {  	v62 =	vshrl.u32 v3, $0x3  }
0xa6: {  	v4 =	vmul.u32 $0x30, v62  }
0xa7: {  	v3 =	vand.u32 $0x7, v3  }
0xa8: {  	v3 =	vor.u32 v3, v4  }
0xa9: {  	v4 =	vperm.xlane v3, v0;
	_ =	sdelay $0x1  }
0xaa: {  	v4 =	vadd.s32 v1, v4;
	_ =	sdelay $0x3  }
0xab: {  	s21 =	sadd.s32 $0x6100, s20;
	v3 =	vperm.xlane v3, v2  }
0xac: {  	[tilespmem:s21], [sflag:$0x1] =	stream.indirect_vreg.gather [hbm4b:s2+s3], $0x80, v4, vm0, $0xb8;
	[tilespmem:$0x18100] =	vst v63  }
0xad: {  	v3 =	vadd.s32 v1, v3;
	s21 =	sadd.s32 $0x6900, s20  }
0xae: {  	[tilespmem:s21], [sflag:$0x1] =	stream.indirect_vreg.gather [hbm4b:s5+s3], $0x80, v4, vm0, $0xb8;
	[tilespmem:$0x18100] =	vst v63  }
0xaf: {  	s21 =	sadd.s32 $0x7100, s20  }
0xb0: {  	[tilespmem:s21], [sflag:$0x1] =	stream.indirect_vreg.gather [hbm4b:s6+s3], $0x80, v4, vm0, $0xb8;
	[tilespmem:$0x18100] =	vst v63  }
0xb1: {  	s21 =	sadd.s32 $0x7900, s20  }
0xb2: {  	[tilespmem:s21], [sflag:$0x1] =	stream.indirect_vreg.gather [hbm4b:s2+s3], $0x80, v3, vm0, $0xb8;
	[tilespmem:$0x18100] =	vst v63  }
0xb3: {  	s21 =	sadd.s32 $0x8100, s20  }
0xb4: {  	[tilespmem:s21], [sflag:$0x1] =	stream.indirect_vreg.gather [hbm4b:s5+s3], $0x80, v3, vm0, $0xb8;
	[tilespmem:$0x18100] =	vst v63  }
0xb5: {  	s21 =	sadd.s32 $0x8900, s20  }
0xb6: {  	[tilespmem:s21], [sflag:$0x1] =	stream.indirect_vreg.gather [hbm4b:s6+s3], $0x80, v3, vm0, $0xb8;
	[tilespmem:$0x18100] =	vst v63  }
0xb7: {  	v3 =	vld [tilespmem:s16+$0x0];
	_ =	sdelay $0x4  }
0xb8: {  	v63 =	vshrl.u32 v3, $0x3  }
0xb9: {  	v4 =	vmul.u32 $0x30, v63  }
0xba: {  	v3 =	vand.u32 $0x7, v3  }
0xbb: {  	v3 =	vor.u32 v3, v4  }
0xbc: {  	v4 =	vperm.xlane v3, v0;
	_ =	sdelay $0x1  }
0xbd: {  	v4 =	vadd.s32 v1, v4;
	_ =	sdelay $0x3  }
0xbe: {  	s21 =	sadd.s32 $0x9100, s20;
	v3 =	vperm.xlane v3, v2  }
0xbf: {  	[tilespmem:s21], [sflag:$0x1] =	stream.indirect_vreg.gather [hbm4b:s2+s3], $0x80, v4, vm0, $0xb8;
	[tilespmem:$0x18100] =	vst v63  }
0xc0: {  	v3 =	vadd.s32 v1, v3;
	s21 =	sadd.s32 $0x9900, s20  }
0xc1: {  	[tilespmem:s21], [sflag:$0x1] =	stream.indirect_vreg.gather [hbm4b:s5+s3], $0x80, v4, vm0, $0xb8;
	[tilespmem:$0x18100] =	vst v63  }
0xc2: {  	s21 =	sadd.s32 $0xA100, s20  }
0xc3: {  	[tilespmem:s21], [sflag:$0x1] =	stream.indirect_vreg.gather [hbm4b:s6+s3], $0x80, v4, vm0, $0xb8;
	[tilespmem:$0x18100] =	vst v63  }
0xc4: {  	s21 =	sadd.s32 $0xA900, s20  }
0xc5: {  	[tilespmem:s21], [sflag:$0x1] =	stream.indirect_vreg.gather [hbm4b:s2+s3], $0x80, v3, vm0, $0xb8;
	[tilespmem:$0x18100] =	vst v63  }
.Ltmp5:
0xc6: {  	_ = 	snop;
	(pc) =	sbr.rel .LBB2_4-.Ltmp5, $4  }
0xc7: {  	s21 =	sadd.s32 $0xB100, s20  }
0xc8: {  	[tilespmem:s21], [sflag:$0x1] =	stream.indirect_vreg.gather [hbm4b:s5+s3], $0x80, v3, vm0, $0xb8;
	[tilespmem:$0x18100] =	vst v63  }
0xc9: {  	s20 =	sadd.s32 $0xB900, s20  }
0xca: {  	[tilespmem:s20], [sflag:$0x1] =	stream.indirect_vreg.gather [hbm4b:s6+s3], $0x80, v3, vm0, $0xb8;
	[tilespmem:$0x18100] =	vst v63  }
.LBB2_6:
0xcb: {  	_ =	sfence.sel $0x180000  }
0xcc: {  	[bflag:$0x0] =	sbarrier.arrive $0xFFFF  }
0xcd: {  	_ =	strace $0x90000047  }
0xce: {  	s0 =	stileid.u32;
	[bflag:$0x2] =	sbarrier.arrive $0xFFFF  }
0xcf: {  	p0 =	sne.s32 s0, $0x0;
	s0 =	rddreg [dreg:$0x3]  }
0xd0: {  	s0 =	sadd.s32 @!p0 $0x100000, s0  }
0xd1: {  	[sflag:s0] =	ssyncadd.tile.s32 @!p0 $0x1;
	_ =	shalt  }
.Lfunc_end2:
_tile_overlayer_lowered:
.L_overlay_start_2:
0xd2: {  	(tag) =	ssettag $0x2  }
0xd3: {  	s0 =	rddreg [dreg:$0x0];
	s2 =	stileid.u32  }
0xd4: {  	s1 =	rddreg [dreg:$0x1];
	p0 =	sne.s32 s2, $0x0  }
0xd5: {  	s3 =	rddreg [dreg:$0x2];
	[bflag:$0x3] =	sbarrier.arrive $0xFFFF;
	s2 =	simm.s32 @!p0 $0x1C03  }
0xd6: {  	[timem:s3], [sflag:s2] =	dma.local @!p0 [hbm:s0], s1  }
0xd7: {  	s0 =	simm.s32 @!p0 $0x3  }
0xd8: {  	_ =	swait.ge @!p0 [sflag:s0], s1  }
0xd9: {  	s1 =	ssub.s32 @!p0 $0x0, s1;
	[sflag:s0] =	ssyncset.done @!p0 $0x0  }
0xda: {  	[sflag:s0] =	ssyncadd.s32 @!p0 s1  }
0xdb: {  	[bflag:$0x3] =	sbarrier.arrive $0xFFFF  }
0xdc: {  	_ =	shalt  }

</sc_bundles>
